<compile_context>
chip_gen: v7x
topology: tpu7x:2x2x1
jax: 0.10.2.dev20260603
libtpu: 0.0.44.dev20260713+nightly
codegen_flags: <defaults>
</compile_context>

<pallas_src>
import functools

import jax
import jax.numpy as jnp
from jax import lax
from jax.experimental import pallas as pl
from jax.experimental.pallas import tpu as pltpu
from jax.experimental.pallas import tpu_sc as plsc

_VOCAB = 100000
_D = 16
_BATCH = 1024
_CTX = 50

_NC = 2
_NS = 16
_NW = _NC * _NS
_IDX_PER_W = _BATCH * _CTX // _NW
_B_PER_W = _BATCH // _NW



def _sc_gather_mean(context_flat, emb):
    mesh = plsc.VectorSubcoreMesh(core_axis_name="c", subcore_axis_name="s")

    @functools.partial(
        pl.kernel,
        out_type=jax.ShapeDtypeStruct((_BATCH, _D), jnp.float32),
        mesh=mesh,
        scratch_types=[
            pltpu.VMEM((_IDX_PER_W,), jnp.int32),
            pltpu.VMEM((_IDX_PER_W, _D), jnp.float32),
            pltpu.VMEM((_B_PER_W, _D), jnp.float32),
            pltpu.SemaphoreType.DMA,
        ],
        compiler_params=pltpu.CompilerParams(use_tc_tiling_on_sc=False),
    )
    def k(idx_hbm, table_hbm, out_hbm, idx_v, rows_v, acc_v, sem):
        wid = lax.axis_index("s") * _NC + lax.axis_index("c")
        base = wid * _IDX_PER_W
        pltpu.sync_copy(idx_hbm.at[pl.ds(base, _IDX_PER_W)], idx_v)
        pltpu.async_copy(table_hbm.at[idx_v], rows_v, sem).wait()

        def pool_one(j, _):
            def add_row(t, acc):
                return acc + rows_v[j * _CTX + t, :]

            acc = lax.fori_loop(
                0, _CTX, add_row, jnp.zeros((_D,), jnp.float32)
            )
            acc_v[j, :] = acc * (1.0 / _CTX)
            return 0

        lax.fori_loop(0, _B_PER_W, pool_one, 0)
        pltpu.sync_copy(acc_v, out_hbm.at[pl.ds(wid * _B_PER_W, _B_PER_W)])

    return k(context_flat, emb)


_SPREAD = 4
_GROUPS = _BATCH // (_SPREAD * 8)


def _tc_project_spread(hidden3, Wt, b2d):

    def body(h_ref, w_ref, b_ref, o_ref):
        h = jnp.reshape(h_ref[...], (_SPREAD * 8, _D))
        res = (
            lax.dot_general(
                h,
                w_ref[...],
                (((1,), (0,)), ((), ())),
                preferred_element_type=jnp.float32,
            )
            + b_ref[...]
        )
        o_ref[...] = jnp.reshape(res, (_SPREAD, 8, _VOCAB))

    out3 = pl.pallas_call(
        body,
        grid=(_GROUPS,),
        in_specs=[
            pl.BlockSpec((_SPREAD, 8, _D), lambda m: (0, m, 0)),
            pl.BlockSpec((_D, _VOCAB), lambda m: (0, 0)),
            pl.BlockSpec((1, _VOCAB), lambda m: (0, 0)),
        ],
        out_specs=pl.BlockSpec((_SPREAD, 8, _VOCAB), lambda m: (0, m, 0)),
        out_shape=jax.ShapeDtypeStruct((_SPREAD, _BATCH // _SPREAD, _VOCAB), jnp.float32),
    )(hidden3, Wt, b2d)
    return out3.reshape(_BATCH, _VOCAB)


def kernel(context_words, emb, W, b):
    idx = context_words.reshape(-1).astype(jnp.int32)
    hidden = _sc_gather_mean(idx, emb)
    hidden3 = hidden.reshape(_SPREAD, _BATCH // _SPREAD, _D)
    return _tc_project_spread(hidden3, W.T, b.reshape(1, _VOCAB))

# --- scband reference (transcript-rebuilt; emitter-appended) ---
"""Pipeline reference for scband-cbow-model-14130442404386 (READ-ONLY COPY).

The authoritative reference and input builder live on the scoring server;
editing this copy changes nothing except your own understanding.
"""

import jax, jax.numpy as jnp
import numpy as np

VOCAB = 100000
EMBED_DIM = 16
BATCH = 1024
CTX = 50

def setup_inputs(seed: int = 0) -> dict:
    key = jax.random.key(seed)
    k1, k2, k3 = jax.random.split(key, 3)
    context_words = jax.random.randint(k1, (BATCH, CTX), 0, VOCAB, dtype=jnp.int64 if jax.config.jax_enable_x64 else jnp.int32)
    emb = jax.random.normal(k2, (VOCAB, EMBED_DIM), dtype=jnp.float32) * 0.02
    W = jax.random.normal(k3, (VOCAB, EMBED_DIM), dtype=jnp.float32) * 0.02
    b = jnp.zeros((VOCAB,), dtype=jnp.float32)
    return {"context_words": context_words, "emb": emb, "W": W, "b": b}

def reference(context_words, emb, W, b):
    # embeds = self.embeddings(context_words)
    embeds = jnp.take(emb, context_words, axis=0)  # [B, CTX, D]
    # hidden = torch.mean(embeds, dim=1)
    hidden = jnp.mean(embeds, axis=1)  # [B, D]
    # output = self.linear(hidden)  (torch Linear: y = x @ W.T + b)
    output = hidden @ W.T + b  # [B, VOCAB]
    return output

if __name__ == "__main__":
    import jax
    _d = setup_inputs()
    print(jax.jit(kernel)(*tuple(_d.values())))

</pallas_src>

<mosaic_0001>
#map = affine_map<(d0, d1) -> (0)>
#map1 = affine_map<(d0, d1) -> (0, 0)>
module attributes {stable_mosaic.version = 14 : i64} {
  func.func @k(%arg0: i32, %arg1: i32, %arg2: memref<51200xi32, #tpu.memory_space<hbm>>, %arg3: memref<100000x16xf32, #tpu.memory_space<hbm>>, %arg4: memref<1024x16xf32, #tpu.memory_space<hbm>>, %arg5: memref<1600xi32, #tpu.memory_space<vmem>>, %arg6: memref<1600x16xf32, #tpu.memory_space<vmem>>, %arg7: memref<32x16xf32, #tpu.memory_space<vmem>>, %arg8: memref<!tpu.dma_semaphore, #tpu.memory_space<semaphore_mem>>) attributes {dimension_semantics = [#tpu.dimension_semantics<core_parallel>, #tpu.dimension_semantics<subcore_parallel>], iteration_bounds = array<i64: 2, 16>, scalar_prefetch = 0 : i64, scratch_operands = 4 : i64, tpu.core_type = #tpu.core_type<sc_vector_subcore>, window_params = [{transform_indices = #map}, {transform_indices = #map1}, {transform_indices = #map1}]} {
    %mul3A = arith.constant 2 : i32
    %mul3A_0 = arith.muli %arg1, %mul3A : i32
    %add3A = arith.addi %mul3A_0, %arg0 : i32
    %mul3A_1 = arith.constant 1600 : i32
    %mul3A_2 = arith.muli %add3A, %mul3A_1 : i32
    "tpu.region"() ({
      %run_scoped3A = tpu.sem_alloc : memref<!tpu.dma_semaphore, #tpu.memory_space<semaphore_mem>>
      %dma_start3A_15 = tpu.memref_slice %arg2[%mul3A_2] : memref<51200xi32, #tpu.memory_space<hbm>> -> memref<1600xi32, #tpu.memory_space<hbm>>
      %dma_start3A_16 = tpu.memref_slice %arg2[%mul3A_2] : memref<51200xi32, #tpu.memory_space<hbm>> -> memref<1600xi32, #tpu.memory_space<hbm>>
      tpu.enqueue_dma source(%dma_start3A_16 : memref<1600xi32, #tpu.memory_space<hbm>>) target(%arg5 : memref<1600xi32, #tpu.memory_space<vmem>>) target_semaphore(%run_scoped3A : memref<!tpu.dma_semaphore, #tpu.memory_space<semaphore_mem>>)
      %dma_wait3A_17 = tpu.memref_slice %arg2[%mul3A_2] : memref<51200xi32, #tpu.memory_space<hbm>> -> memref<1600xi32, #tpu.memory_space<hbm>>
      %dma_wait3A_18 = tpu.memref_slice %arg2[%mul3A_2] : memref<51200xi32, #tpu.memory_space<hbm>> -> memref<1600xi32, #tpu.memory_space<hbm>>
      tpu.wait_dma2 semaphore(%run_scoped3A : memref<!tpu.dma_semaphore, #tpu.memory_space<semaphore_mem>>) src(%dma_wait3A_18 : memref<1600xi32, #tpu.memory_space<hbm>>) dst(%arg5 : memref<1600xi32, #tpu.memory_space<vmem>>)
      tpu.yield
    }) : () -> ()
    %dma_start3A = arith.constant 0 : i32
    %dma_start3A_3 = arith.constant 0 : i32
    %dma_start3A_4 = tpu.memref_slice %arg3[%dma_start3A, %dma_start3A_3] : memref<100000x16xf32, #tpu.memory_space<hbm>> -> memref<100000x16xf32, #tpu.memory_space<hbm>>
    tpu.enqueue_indirect_dma source(%dma_start3A_4 : memref<100000x16xf32, #tpu.memory_space<hbm>>) target(%arg6 : memref<1600x16xf32, #tpu.memory_space<vmem>>) offsets(%arg5 : memref<1600xi32, #tpu.memory_space<vmem>>) semaphore(%arg8 : memref<!tpu.dma_semaphore, #tpu.memory_space<semaphore_mem>>)
    %dma_wait3A = arith.constant 0 : i32
    %dma_wait3A_5 = arith.constant 0 : i32
    %dma_wait3A_6 = tpu.memref_slice %arg3[%dma_wait3A, %dma_wait3A_5] : memref<100000x16xf32, #tpu.memory_space<hbm>> -> memref<100000x16xf32, #tpu.memory_space<hbm>>
    tpu.wait_indirect_dma semaphore(%arg8 : memref<!tpu.dma_semaphore, #tpu.memory_space<semaphore_mem>>) src(%dma_wait3A_6 : memref<100000x16xf32, #tpu.memory_space<hbm>>) dst(%arg6 : memref<1600x16xf32, #tpu.memory_space<vmem>>)
    %scan3A = arith.constant 0 : i32
    %scan3A_7 = arith.constant 0 : i32
    %scan3A_8 = arith.constant 32 : i32
    %scan3A_9 = arith.addi %scan3A_7, %scan3A_8 : i32
    %scan3A_10 = arith.constant 1 : i32
    %scan3A_11 = scf.for %scan3A_15 = %scan3A_7 to %scan3A_9 step %scan3A_10 iter_args(%scan3A_16 = %scan3A) -> (i32)  : i32 {
      %broadcast_in_dim3A = arith.constant 0.000000e+00 : f32
      %broadcast_in_dim3A_17 = vector.broadcast %broadcast_in_dim3A : f32 to vector<16xf32>
      %scan3A_18 = arith.constant 0 : i32
      %scan3A_19 = arith.constant 50 : i32
      %scan3A_20 = arith.addi %scan3A_18, %scan3A_19 : i32
      %scan3A_21 = arith.constant 1 : i32
      %scan3A_22 = scf.for %scan3A_32 = %scan3A_18 to %scan3A_20 step %scan3A_21 iter_args(%scan3A_33 = %broadcast_in_dim3A_17) -> (vector<16xf32>)  : i32 {
        %mul3A_34 = arith.constant 50 : i32
        %mul3A_35 = arith.muli %scan3A_15, %mul3A_34 : i32
        %add3A_36 = arith.addi %mul3A_35, %scan3A_32 : i32
        %get3A = arith.index_cast %add3A_36 : i32 to index
        %get3A_37 = arith.constant 0 : index
        %get3A_38 = tpu.vector_load %arg6[%get3A, %get3A_37] {strides = array<i32>} : memref<1600x16xf32, #tpu.memory_space<vmem>>, vector<1x16xf32>,
        %get3A_39 = vector.shape_cast %get3A_38 : vector<1x16xf32> to vector<16xf32>
        %add3A_40 = arith.addf %scan3A_33, %get3A_39 : vector<16xf32>
        scf.yield %add3A_40 : vector<16xf32>
      }
      %scan3A_23 = arith.constant 50 : i32
      %mul3A_24 = arith.constant 2.000000e-02 : f32
      %mul3A_25 = vector.broadcast %mul3A_24 : f32 to vector<16xf32>
      %mul3A_26 = arith.mulf %scan3A_22, %mul3A_25 : vector<16xf32>
      %swap3A = arith.index_cast %scan3A_15 : i32 to index
      %swap3A_27 = arith.constant 0 : index
      %swap3A_28 = tpu.vector_load %arg7[%swap3A, %swap3A_27] {strides = array<i32>} : memref<32x16xf32, #tpu.memory_space<vmem>>, vector<1x16xf32>,
      %swap3A_29 = vector.shape_cast %swap3A_28 : vector<1x16xf32> to vector<16xf32>
      %swap3A_30 = vector.shape_cast %mul3A_26 : vector<16xf32> to vector<1x16xf32>
      tpu.vector_store %arg7[%swap3A, %swap3A_27], %swap3A_30 {strides = array<i32>} : memref<32x16xf32, #tpu.memory_space<vmem>>, vector<1x16xf32>,
      %scan3A_31 = arith.constant 0 : i32
      scf.yield %scan3A_31 : i32
    }
    %scan3A_12 = arith.constant 32 : i32
    %mul3A_13 = arith.constant 32 : i32
    %mul3A_14 = arith.muli %add3A, %mul3A_13 : i32
    "tpu.region"() ({
      %run_scoped3A = tpu.sem_alloc : memref<!tpu.dma_semaphore, #tpu.memory_space<semaphore_mem>>
      %dma_start3A_15 = arith.constant 0 : i32
      %dma_start3A_16 = tpu.memref_slice %arg4[%mul3A_14, %dma_start3A_15] : memref<1024x16xf32, #tpu.memory_space<hbm>> -> memref<32x16xf32, #tpu.memory_space<hbm>>
      %dma_start3A_17 = arith.constant 0 : i32
      %dma_start3A_18 = tpu.memref_slice %arg4[%mul3A_14, %dma_start3A_17] : memref<1024x16xf32, #tpu.memory_space<hbm>> -> memref<32x16xf32, #tpu.memory_space<hbm>>
      tpu.enqueue_dma source(%arg7 : memref<32x16xf32, #tpu.memory_space<vmem>>) target(%dma_start3A_18 : memref<32x16xf32, #tpu.memory_space<hbm>>) target_semaphore(%run_scoped3A : memref<!tpu.dma_semaphore, #tpu.memory_space<semaphore_mem>>)
      %dma_wait3A_19 = arith.constant 0 : i32
      %dma_wait3A_20 = tpu.memref_slice %arg4[%mul3A_14, %dma_wait3A_19] : memref<1024x16xf32, #tpu.memory_space<hbm>> -> memref<32x16xf32, #tpu.memory_space<hbm>>
      %dma_wait3A_21 = arith.constant 0 : i32
      %dma_wait3A_22 = tpu.memref_slice %arg4[%mul3A_14, %dma_wait3A_21] : memref<1024x16xf32, #tpu.memory_space<hbm>> -> memref<32x16xf32, #tpu.memory_space<hbm>>
      tpu.wait_dma2 semaphore(%run_scoped3A : memref<!tpu.dma_semaphore, #tpu.memory_space<semaphore_mem>>) src(%arg7 : memref<32x16xf32, #tpu.memory_space<vmem>>) dst(%dma_wait3A_22 : memref<32x16xf32, #tpu.memory_space<hbm>>)
      tpu.yield
    }) : () -> ()
    return
  }
}

module attributes {stable_mosaic.version = 14 : i64} {
  func.func @body(%arg0: i32, %arg1: memref<4x8x16xf32, #tpu.memory_space<vmem>>, %arg2: memref<16x100000xf32, #tpu.memory_space<vmem>>, %arg3: memref<1x100000xf32, #tpu.memory_space<vmem>>, %arg4: memref<4x8x100000xf32, #tpu.memory_space<vmem>>) attributes {dimension_semantics = [#tpu.dimension_semantics<arbitrary>], iteration_bounds = array<i64: 32>, scalar_prefetch = 0 : i64, scratch_operands = 0 : i64, tpu.core_type = #tpu.core_type<tc>, window_params = [{transform_indices = @transform_0, window_bounds = array<i64: 4, 8, 16>}, {pipeline_mode = #tpu.pipeline_mode<synchronous>, transform_indices = @transform_1, window_bounds = array<i64: 16, 100000>}, {pipeline_mode = #tpu.pipeline_mode<synchronous>, transform_indices = @transform_2, window_bounds = array<i64: 1, 100000>}, {transform_indices = @transform_3, window_bounds = array<i64: 4, 8, 100000>}]} {
    %get3A = arith.constant 0 : index
    %get3A_0 = arith.constant 0 : index
    %get3A_1 = arith.constant 0 : index
    %get3A_2 = vector.load %arg1[%get3A, %get3A_0, %get3A_1] : memref<4x8x16xf32, #tpu.memory_space<vmem>>, vector<4x8x16xf32>
    %reshape3A = vector.shape_cast %get3A_2 : vector<4x8x16xf32> to vector<32x16xf32>
    %get3A_3 = arith.constant 0 : index
    %get3A_4 = arith.constant 0 : index
    %get3A_5 = vector.load %arg2[%get3A_3, %get3A_4] : memref<16x100000xf32, #tpu.memory_space<vmem>>, vector<16x100000xf32>
    %dot_general3A = arith.constant dense<0.000000e+00> : vector<32x100000xf32>
    %dot_general3A_6 = tpu.matmul %reshape3A, %get3A_5, %dot_general3A {dimension_numbers = #tpu.dot_dimension_numbers<[1], [0], [0], [1], [0, 0, 1, 1], [], []>, transpose_lhs_hint = false} : vector<32x16xf32>, vector<16x100000xf32>, vector<32x100000xf32> -> vector<32x100000xf32>
    %get3A_7 = arith.constant 0 : index
    %get3A_8 = arith.constant 0 : index
    %get3A_9 = vector.load %arg3[%get3A_7, %get3A_8] : memref<1x100000xf32, #tpu.memory_space<vmem>>, vector<1x100000xf32>
    %add3A = vector.broadcast %get3A_9 : vector<1x100000xf32> to vector<32x100000xf32>
    %add3A_10 = arith.addf %dot_general3A_6, %add3A : vector<32x100000xf32>
    %reshape3A_11 = vector.shape_cast %add3A_10 : vector<32x100000xf32> to vector<4x8x100000xf32>
    %swap3A = arith.constant 0 : index
    %swap3A_12 = arith.constant 0 : index
    %swap3A_13 = arith.constant 0 : index
    %swap3A_14 = vector.load %arg4[%swap3A, %swap3A_12, %swap3A_13] : memref<4x8x100000xf32, #tpu.memory_space<vmem>>, vector<4x8x100000xf32>
    tpu.vector_store %arg4[%swap3A, %swap3A_12, %swap3A_13], %reshape3A_11 {strides = array<i32>} : memref<4x8x100000xf32, #tpu.memory_space<vmem>>, vector<4x8x100000xf32>,
    return
  }
  func.func @transform_0(%arg0: i32) -> (i32, i32, i32) {
    %c0_i32 = arith.constant 0 : i32
    %c0_i32_0 = arith.constant 0 : i32
    %c0_i32_1 = arith.constant 0 : i32
    return %c0_i32, %arg0, %c0_i32_0 : i32, i32, i32
  }
  func.func @transform_1(%arg0: i32) -> (i32, i32) {
    %c0_i32 = arith.constant 0 : i32
    %c0_i32_0 = arith.constant 0 : i32
    %c0_i32_1 = arith.constant 0 : i32
    return %c0_i32, %c0_i32_0 : i32, i32
  }
  func.func @transform_2(%arg0: i32) -> (i32, i32) {
    %c0_i32 = arith.constant 0 : i32
    %c0_i32_0 = arith.constant 0 : i32
    %c0_i32_1 = arith.constant 0 : i32
    return %c0_i32, %c0_i32_0 : i32, i32
  }
  func.func @transform_3(%arg0: i32) -> (i32, i32, i32) {
    %c0_i32 = arith.constant 0 : i32
    %c0_i32_0 = arith.constant 0 : i32
    %c0_i32_1 = arith.constant 0 : i32
    return %c0_i32, %arg0, %c0_i32_0 : i32, i32, i32
  }
}

</mosaic_0001>

<sc_bundles>
// kernel: kernel.4.cloned.1.call-start
scs
__scs_entry_jumppad:
0x0: {  	(pc) =	sbr.rel $0x88, $3  }
0x1: {  	(tag) =	ssettag $0x0;
	lr =	simm.s32 $0x1  }
0x2: {  	[smem:$0x3F9D] =	sst lr;
	_ =	strace $0xD0000000  }
0x3: {  	_ = 	snop  }
0x4: {  	_ = 	snop  }
0x5: {  	_ = 	snop  }
0x6: {  	_ = 	snop  }
0x7: {  	_ = 	snop  }
__scs_overlays_trampoline_lowered:
0x8: {  	[smem:$0x3FAC] =	sst s0  }
0x9: {  	[smem:$0x3FAD] =	sst s1  }
0xa: {  	[smem:$0x3FAE] =	sst s2  }
0xb: {  	[smem:$0x3FAF] =	sst s3  }
0xc: {  	[smem:$0x3FB0] =	sst s4  }
0xd: {  	[smem:$0x3FB1] =	sst s5  }
0xe: {  	[smem:$0x3FB2] =	sst s6  }
0xf: {  	[smem:$0x3FB3] =	sst s7  }
0x10: {  	[smem:$0x3FB4] =	sst s8  }
0x11: {  	[smem:$0x3FB5] =	sst s9;
	s0 =	simm.s32 @!p0 $0x0  }
0x12: {  	s1 =	sld [smem:$0x3F9B];
	s0 =	simm.s32 @p0 $0x1  }
0x13: {  	[smem:$0x3FB6] =	sst s0;
	s0 =	simm.s32 @!p1 $0x0  }
0x14: {  	s2 =	sld [smem:$0x3F9A];
	s0 =	simm.s32 @p1 $0x1  }
0x15: {  	[smem:$0x3FB7] =	sst s0;
	s0 =	simm.s32 @!p2 $0x0  }
0x16: {  	s3 =	sld [smem:$0x3FDB];
	s0 =	simm.s32 @p2 $0x1  }
0x17: {  	s4 =	simm.s32 $0x1BF5;
	[smem:$0x3FB9] =	sst s0  }
0x18: {  	s0 =	sld [smem:$0x3F9C];
	_ =	swait.ge [sflag:s4], $0x0  }
0x19: {  	s7 =	sld [smem:$0x3F9D]  }
0x1a: {  	s8 =	sadd.s32 $0xFFFFE003, lr  }
0x1b: {  	s9 =	sadd.s32 $0xFFFFFEF7, lr;
	s5 =	simm.s32 $0xFFFFFFFF;
	p2 =	slt.u32 s8, $0xFFFFF086  }
0x1c: {  	p1 =	slt.u32 s9, $0xF7A;
	s5 =	simm.s32 @!p2 $0x0  }
0x1d: {  	s5 =	simm.s32 @p1 $0x1;
	p0 =	seq.s32 s7, s2  }
0x1e: {  	s7 =	smul.u32 @!p0 $0xF7A, s2;
	p2 =	seq.s32 @!p0 s5, $0x0  }
0x1f: {  	s9 =	smul.u32 $0xF7A, s1;
	s8 =	simm.s32 @!p0 $0x1BF5;
	p2 =	por !p2, p0  }
0x20: {  	[sflag:s8] =	ssyncset.s32 @!p0 $0xFFFFF086;
	s6 =	sadd.s32 @!p0 s3, s7;
	s7 =	simm.s32 @!p0 $0x108  }
0x21: {  	s3 =	sadd.s32 s3, s9;
	s6 =	sadd.s32 @!p0 $0x88, s6;
	s7 =	simm.s32 @p2 $0x1082  }
0x22: {  	[simem:s7], [sflag:s8] =	dma.local @!p0 [hbm:s6], $0xF7A  }
0x23: {  	s9 =	sor.u32 $0xD0000000, s2;
	s6 =	simm.s32 $0x108;
	_ =	swait.ge @!p0 [sflag:s8], $0x0  }
0x24: {  	s3 =	sadd.s32 $0x88, s3;
	s6 =	simm.s32 @!p1 $0x1082;
	[sflag:s4] =	ssyncset.s32 $0xFFFFF086  }
0x25: {  	[simem:s6], [sflag:s4] =	dma.local [hbm:s3], $0xF7A  }
0x26: {  	[smem:$0x3F9D] =	sst s1;
	(tag) =	ssettag s2;
	_ =	strace s9  }
0x27: {  	s1 =	sld [smem:$0x3FAD]  }
0x28: {  	s2 =	sld [smem:$0x3FAE]  }
0x29: {  	s4 =	sld [smem:$0x3FB0]  }
0x2a: {  	p0 =	seq.s32 s5, $0x0;
	s5 =	sld [smem:$0x3FB1]  }
0x2b: {  	s6 =	sld [smem:$0x3FB2]  }
0x2c: {  	s7 =	sld [smem:$0x3FB3]  }
0x2d: {  	s3 =	simm.s32 $0x108;
	s8 =	sld [smem:$0x3FB4]  }
0x2e: {  	s3 =	simm.s32 @!p0 $0x1082;
	s9 =	sld [smem:$0x3FB5]  }
0x2f: {  	lr =	sadd.s32 s0, s3;
	s0 =	sld [smem:$0x3FAC]  }
0x30: {  	s3 =	sld [smem:$0x3FAF]  }
0x31: {  	[smem:$0x3FB8] =	sst s10  }
0x32: {  	s10 =	sld [smem:$0x3FB6];
	_ =	sdelay $0x3  }
0x33: {  	p0 =	seq.s32 s10, $0x1;
	s10 =	sld [smem:$0x3FB8];
	_ =	sdelay $0x3  }
0x34: {  	[smem:$0x3FB8] =	sst s10  }
0x35: {  	s10 =	sld [smem:$0x3FB7];
	_ =	sdelay $0x3  }
0x36: {  	p1 =	seq.s32 s10, $0x1;
	s10 =	sld [smem:$0x3FB8];
	_ =	sdelay $0x3  }
0x37: {  	[smem:$0x3FB8] =	sst s10  }
0x38: {  	s10 =	sld [smem:$0x3FB9]  }
0x39: {  	_ = 	snop;
	(pc) =	sbr.ind lr, $3  }
0x3a: {  	_ = 	snop  }
0x3b: {  	_ = 	snop  }
0x3c: {  	p2 =	seq.s32 s10, $0x1;
	s10 =	sld [smem:$0x3FB8]  }
0x3d: {  	_ =	shalt  }
0x3e: {  	_ =	shalt  }
0x3f: {  	_ =	shalt  }
0x40: {  	_ =	shalt  }
0x41: {  	_ =	shalt  }
0x42: {  	_ =	shalt  }
0x43: {  	_ =	shalt  }
0x44: {  	_ =	shalt  }
0x45: {  	_ =	shalt  }
0x46: {  	_ =	shalt  }
0x47: {  	_ =	shalt  }
0x48: {  	_ =	shalt  }
0x49: {  	_ =	shalt  }
0x4a: {  	_ =	shalt  }
0x4b: {  	_ =	shalt  }
0x4c: {  	_ =	shalt  }
0x4d: {  	_ =	shalt  }
0x4e: {  	_ =	shalt  }
0x4f: {  	_ =	shalt  }
0x50: {  	_ =	shalt  }
0x51: {  	_ =	shalt  }
0x52: {  	_ =	shalt  }
0x53: {  	_ =	shalt  }
0x54: {  	_ =	shalt  }
0x55: {  	_ =	shalt  }
0x56: {  	_ =	shalt  }
0x57: {  	_ =	shalt  }
0x58: {  	_ =	shalt  }
0x59: {  	_ =	shalt  }
0x5a: {  	_ =	shalt  }
0x5b: {  	_ =	shalt  }
0x5c: {  	_ =	shalt  }
0x5d: {  	_ =	shalt  }
0x5e: {  	_ =	shalt  }
0x5f: {  	_ =	shalt  }
0x60: {  	_ =	shalt  }
0x61: {  	_ =	shalt  }
0x62: {  	_ =	shalt  }
0x63: {  	_ =	shalt  }
0x64: {  	_ =	shalt  }
0x65: {  	_ =	shalt  }
0x66: {  	_ =	shalt  }
0x67: {  	_ =	shalt  }
0x68: {  	_ =	shalt  }
0x69: {  	_ =	shalt  }
0x6a: {  	_ =	shalt  }
0x6b: {  	_ =	shalt  }
0x6c: {  	_ =	shalt  }
0x6d: {  	_ =	shalt  }
0x6e: {  	_ =	shalt  }
0x6f: {  	_ =	shalt  }
0x70: {  	_ =	shalt  }
0x71: {  	_ =	shalt  }
0x72: {  	_ =	shalt  }
0x73: {  	_ =	shalt  }
0x74: {  	_ =	shalt  }
0x75: {  	_ =	shalt  }
0x76: {  	_ =	shalt  }
0x77: {  	_ =	shalt  }
0x78: {  	_ =	shalt  }
0x79: {  	_ =	shalt  }
0x7a: {  	_ =	shalt  }
0x7b: {  	_ =	shalt  }
0x7c: {  	_ =	shalt  }
0x7d: {  	_ =	shalt  }
0x7e: {  	_ =	shalt  }
0x7f: {  	_ =	shalt  }
0x80: {  	_ =	shalt  }
0x81: {  	_ =	shalt  }
0x82: {  	_ =	shalt  }
0x83: {  	_ =	shalt  }
0x84: {  	_ =	shalt  }
0x85: {  	_ =	shalt  }
0x86: {  	_ =	shalt  }
0x87: {  	_ =	shalt  }
.Lfunc_end0:
.L_simem_size_0:
called_computation.1_lowered:
.L_overlay_start_0:
0x88: {  	s2 =	sld [smem:$0x3FD9]  }
0x89: {  	s3 =	sld [smem:$0x3FFE];
	_ =	sdelay $0x1  }
0x8a: {  	s1 =	srdreg.scid  }
0x8b: {  	s0 =	sand.u32 $0x1, s1  }
0x8c: {  	s17 =	sshll.u32 s0, $0xA;
	s2 =	sadd.s32 s3, s2  }
0x8d: {  	s2 =	sadd.s32 s2, s17  }
0x8e: {  	[smem:$0x3FC4] =	sst s2  }
0x8f: {  	_ = 	snop  }
0x90: {  	s2 =	sld [smem:$0x3FD0];
	(tm) =	ssettm $0x1  }
0x91: {  	s18 =	sld [smem:$0x3FFB];
	_ =	sdelay $0x3  }
0x92: {  	_ =	strace s18  }
0x93: {  	s3 =	sld [smem:$0x3FFC];
	_ =	sdelay $0x3  }
0x94: {  	_ =	strace s3  }
0x95: {  	s3 =	sld [smem:$0x3FFD];
	_ =	sdelay $0x3  }
0x96: {  	_ =	strace s3  }
0x97: {  	_ =	strace $0x8FFFFFFF  }
0x98: {  	s19 =	sld [smem:$0x3FDB];
	_ =	sdelay $0x1  }
0x99: {  	s4 =	simm.s32 $_scs_section_size  }
0x9a: {  	s5 =	simm.s32 $_size__tile_overlayer_lowered;
	s6 =	simm.s32 $_tile_overlayer_lowered  }
0x9b: {  	s22 =	simm.s32 $0x1BFF;
	s21 =	sshll.u32 s6, $0x1;
	s3 =	sadd.s32 s4, s19  }
0x9c: {  	s7 =	simm.s32 $0x0;
	s20 =	sshll.u32 s5, $0x1;
	s5 =	sadd.s32 s21, s3  }
0x9d: {  	[timem:s7], [sflag:s22] =	dma.local [hbm:s5], s20  }
0x9e: {  	_ =	swait.ge [sflag:s22], s20  }
0x9f: {  	s4 =	ssub.s32 $0x0, s20;
	[sflag:s22] =	ssyncset.done $0x0  }
0xa0: {  	[sflag:s22] =	ssyncadd.s32 s4;
	_ =	sdelay $0x1  }
0xa1: {  	s23 =	simm.s32 $0x1B8B  }
0xa2: {  	_ =	swait.ge [sflag:s23], $0x1  }
0xa3: {  	[sflag:s23] =	ssyncset.done $0x0  }
0xa4: {  	s25 =	simm.s32 $0x1B8E;
	s24 =	sld [smem:$0x3FFE];
	[sflag:s23] =	ssyncadd.s32 $0xFFFFFFFF  }
0xa5: {  	s26 =	simm.s32 $execute0_lowered;
	[smem:$0x3FD2] =	sst s25  }
0xa6: {  	s5 =	sshll.u32 s26, $0x1;
	_ =	strace $0x80000046;
	[dreg:$0x1] =	wrdreg $0xFFFFFFFF  }
0xa7: {  	s28 =	simm.s32 $_size_execute0_lowered;
	s3 =	sadd.s32 s3, s5;
	[dreg:$0x0] =	wrdreg $0x0  }
0xa8: {  	s5 =	sshll.u32 s28, $0x1;
	[dreg:$0x2] =	wrdreg s3  }
0xa9: {  	[dreg:$0x3] =	wrdreg s5  }
0xaa: {  	[dreg:$0x4] =	wrdreg $0xC0  }
0xab: {  	_ =	task [dreg:s7], $0x5FFFF  }
0xac: {  	[dreg:$0x1] =	wrdreg $0xFFFFFFFF  }
0xad: {  	[dreg:$0x0] =	wrdreg $0x60  }
0xae: {  	[dreg:$0x2] =	wrdreg s24  }
0xaf: {  	[dreg:$0x3] =	wrdreg s2  }
0xb0: {  	[dreg:$0x4] =	wrdreg $0x9  }
0xb1: {  	_ =	task.clear_ibuf [dreg:s7], $0x5FFFF;
	_ =	strace $0x90000046  }
0xb2: {  	s29 =	simm.s32 $0x9;
	_ =	strace $0x80000048  }
0xb3: {  	_ =	swait.ge [sflag:s29], $0x1  }
0xb4: {  	[sflag:s29] =	ssyncadd.s32 $0xFFFFFFFF  }
0xb5: {  	_ =	strace $0x90000048  }
0xb6: {  	_ =	sfence  }
0xb7: {  	s30 =	sld [smem:$0x0];
	_ =	sdelay $0x2  }
0xb8: {  	s31 =	sshll.u32 s1, $0xD;
	s1 =	sshrl.u32 s1, $0x2  }
0xb9: {  	s3 =	sand.u32 $0x4000, s31;
	s1 =	sadd.s32 s1, s30  }
0xba: {  	s0 =	sor.u32 s3, s0;
	s1 =	sshll.u32 s1, $0x11  }
0xbb: {  	s0 =	sor.u32 s1, s0  }
0xbc: {  	s0 =	sadd.s32 $0x8F2B, s0  }
0xbd: {  	[sflag:s0] =	ssyncadd.remote.s32 $0x1  }
0xbe: {  	_ =	sfence.sel $0xFFFF  }
0xbf: {  	[dreg:$0x0] =	wrdreg $0xFFFFFFFF;
	(pc) =	sbr.abs _section_cstart, $3  }
0xc0: {  	[dreg:$0x1] =	wrdreg $0xFFFFFFFF  }
0xc1: {  	_ =	task.clear_ibuf [dreg:s7], $0x2FFFF;
	_ =	strace $0x9FFFFFFF  }
0xc2: {  	(tm) =	ssettm $0x7FFFFFFF  }
0xc3: {  	_ =	shalt  }
tec
execute0_lowered:
.L_overlay_start_1:
0x0: {  	(tag) =	ssettag $0x1  }
0x1: {  	s3 =	rddreg [dreg:$0x0];
	s1 =	srdreg.scid  }
0x2: {  	s0 =	stileid.u32;
	s5 =	rddreg [dreg:$0x1]  }
0x3: {  	s2 =	simm.s32 $0x0;
	s9 =	simm.s32 $0x6A40;
	s10 =	simm.s32 $0x0  }
0x4: {  	s4 =	sand.u32 $0x1, s1;
	s6 =	sshll.u32 s0, $0x1;
	s1 =	rddreg [dreg:$0x2]  }
0x5: {  	[smem:$0x7FF] =	sst s2;
	s6 =	sor.u32 s4, s6;
	s4 =	ssub.s32 $0x2, s4  }
0x6: {  	s7 =	smul.u32 $0xC8, s6;
	s8 =	sshrl.u32 s4, $0x1;
	s6 =	sshll.u32 s6, $0x6  }
0x7: {  	_ =	strace $0x80000047;
	s8 =	ssub.s32 s4, s8;
	s5 =	sadd.s32 s5, s6  }
0x8: {  	s7 =	sadd.s32 s7, s3;
	s3 =	sadd.s32 $0x2C00, s3;
	s6 =	smax.u32 s8, $0x1  }
0x9: {  	s8 =	simm.s32 $0x1;
	s4 =	sadd.s32 $0x1200, s7;
	s7 =	simm.s32 $0x2  }
.LBB2_1:
0xa: {  	[tilespmem:s2], [sflag:$0x2] =	stream.linear.gather [hbm4b:s4+s2], $0x640, $0x38;
	[tilespmem:$0x6C40] =	vst v63  }
0xb: {  	_ =	swait.ge [sflag:s7], $0x640  }
0xc: {  	[sflag:s7] =	ssyncset.done $0x0  }
0xd: {  	s11 =	simm.s32 $0x640;
	[sflag:s7] =	ssyncadd.s32 $0xFFFFF9C0  }
0xe: {  	[tilespmem:s11], [sflag:$0x1] =	stream.indirect.gather [hbm4b:s3+s11], $0x10, s2, s11, $0xb8;
	[tilespmem:$0x6C40] =	vst v63  }
0xf: {  	_ =	swait.ge [sflag:s8], $0x6400  }
0x10: {  	[sflag:s8] =	ssyncset.done $0x0  }
0x11: {  	s12 =	simm.s32 $0x0;
	[sflag:s8] =	ssyncadd.s32 $0xFFFF9C00  }
.LBB2_2:
0x12: {  	v0 =	vmov s11;
	_ =	sdelay $0x3  }
0x13: {  	s14 =	simm.s32 $0x0  }
0x14: {  	v1 =	vimm.f32 $0.0e+00;
	s13 =	simm.s32 $0x40;
	v2 =	vld.idx.msk [tilespmem:v0+s14+$0x0 ss:$0x1], $0xffff  }
.LBB2_3:
0x15: {  	p0 =	sne.s32 s13, $0xC40  }
.Ltmp0:
0x16: {  	_ = 	snop;
	(pc) =	sbr.rel @p0 .LBB2_3-.Ltmp0, $3  }
0x17: {  	_ =	sdelay $0x1  }
0x18: {  	s14 =	sshra.s32 s13, $0x2;
	s13 =	sadd.s32 $0x40, s13  }
0x19: {  	v1 =	vadd.f32 v2, v1;
	v2 =	vld.idx.msk [tilespmem:v0+s14+$0x0 ss:$0x1], $0xffff  }
0x1a: {  	_ =	sdelay $0x1  }
0x1b: {  	s13 =	sshll.u32 s12, $0x4;
	s12 =	sadd.s32 $0x1, s12  }
0x1c: {  	p0 =	sne.s32 s12, $0x20  }
.Ltmp1:
0x1d: {  	v0 =	vadd.f32 v2, v1;
	(pc) =	sbr.rel @p0 .LBB2_2-.Ltmp1, $4  }
0x1e: {  	_ = 	snop  }
0x1f: {  	v0 =	vmul.f32 $1.999999960e-02, v0  }
0x20: {  	s13 =	sand.u32 $0x3FFFFFF0, s13  }
0x21: {  	s11 =	sadd.s32 $0x320, s11;
	[tilespmem:s13+$0x6A40] =	vst v0  }
0x22: {  	s10 =	sadd.s32 $0x1, s10  }
0x23: {  	p0 =	sne.s32 s10, s6  }
.Ltmp2:
0x24: {  	_ = 	snop;
	(pc) =	sbr.rel @p0 .LBB2_1-.Ltmp2, $4  }
0x25: {  	[hbm4b:s5+s2] =	stream.linear.scatter [tilespmem:s9], [sflag:$0x2], $0x200, $0x38;
	[tilespmem:$0x6C40] =	vst v63  }
0x26: {  	_ =	swait.ge [sflag:s7], $0x200  }
0x27: {  	[sflag:s7] =	ssyncset.done $0x0  }
0x28: {  	[sflag:s7] =	ssyncadd.s32 $0xFFFFFE00  }
0x29: {  	_ =	sfence.sel $0x180000  }
0x2a: {  	[bflag:$0x0] =	sbarrier.arrive $0xFFFF  }
0x2b: {  	p0 =	sne.s32 s0, $0x0;
	_ =	strace $0x90000047  }
0x2c: {  	s0 =	sadd.s32 @!p0 $0x100000, s1;
	[bflag:$0x2] =	sbarrier.arrive $0xFFFF  }
0x2d: {  	[sflag:s0] =	ssyncadd.tile.s32 @!p0 $0x1;
	_ =	shalt  }
.Lfunc_end2:
_tile_overlayer_lowered:
.L_overlay_start_2:
0x2e: {  	(tag) =	ssettag $0x2  }
0x2f: {  	s0 =	rddreg [dreg:$0x0];
	s2 =	stileid.u32  }
0x30: {  	s1 =	rddreg [dreg:$0x1];
	p0 =	sne.s32 s2, $0x0  }
0x31: {  	s3 =	rddreg [dreg:$0x2];
	[bflag:$0x3] =	sbarrier.arrive $0xFFFF;
	s2 =	simm.s32 @!p0 $0x1C02  }
0x32: {  	[timem:s3], [sflag:s2] =	dma.local @!p0 [hbm:s0], s1  }
0x33: {  	s0 =	simm.s32 @!p0 $0x2  }
0x34: {  	_ =	swait.ge @!p0 [sflag:s0], s1  }
0x35: {  	s1 =	ssub.s32 @!p0 $0x0, s1;
	[sflag:s0] =	ssyncset.done @!p0 $0x0  }
0x36: {  	[sflag:s0] =	ssyncadd.s32 @!p0 s1  }
0x37: {  	[bflag:$0x3] =	sbarrier.arrive $0xFFFF  }
0x38: {  	_ =	shalt  }

// kernel: sparse-core-data-format-call.cloned.1.call-start
scs
called_computation_lowered:
.L_overlay_start_0:
0x0: {  	s2 =	sld [smem:$0x3FD9]  }
0x1: {  	s3 =	sld [smem:$0x3FFE];
	_ =	sdelay $0x1  }
0x2: {  	s1 =	srdreg.scid  }
0x3: {  	s0 =	sand.u32 $0x1, s1  }
0x4: {  	s18 =	sshll.u32 s0, $0xA;
	s2 =	sadd.s32 s3, s2  }
0x5: {  	s2 =	sadd.s32 s2, s18  }
0x6: {  	[smem:$0x3FC4] =	sst s2  }
0x7: {  	_ = 	snop  }
0x8: {  	s2 =	sld [smem:$0x3FD0];
	(tm) =	ssettm $0x1  }
0x9: {  	s19 =	sld [smem:$0x3FFB];
	_ =	sdelay $0x3  }
0xa: {  	_ =	strace s19  }
0xb: {  	s3 =	sld [smem:$0x3FFC];
	_ =	sdelay $0x3  }
0xc: {  	_ =	strace s3  }
0xd: {  	s3 =	sld [smem:$0x3FFD];
	_ =	sdelay $0x3  }
0xe: {  	_ =	strace s3  }
0xf: {  	_ =	strace $0x8FFFFFFF  }
0x10: {  	s20 =	sld [smem:$0x3FDB];
	_ =	sdelay $0x1  }
0x11: {  	s4 =	simm.s32 $_scs_section_size  }
0x12: {  	s5 =	simm.s32 $_size__tile_overlayer_lowered;
	s6 =	simm.s32 $_tile_overlayer_lowered  }
0x13: {  	s23 =	simm.s32 $0x1BFF;
	s22 =	sshll.u32 s6, $0x1;
	s3 =	sadd.s32 s4, s20  }
0x14: {  	s7 =	simm.s32 $0x0;
	s21 =	sshll.u32 s5, $0x1;
	s5 =	sadd.s32 s22, s3  }
0x15: {  	[timem:s7], [sflag:s23] =	dma.local [hbm:s5], s21  }
0x16: {  	_ =	swait.ge [sflag:s23], s21  }
0x17: {  	s4 =	ssub.s32 $0x0, s21;
	[sflag:s23] =	ssyncset.done $0x0  }
0x18: {  	[sflag:s23] =	ssyncadd.s32 s4;
	_ =	sdelay $0x1  }
0x19: {  	s24 =	simm.s32 $0x1B8B  }
0x1a: {  	_ =	swait.ge [sflag:s24], $0x1  }
0x1b: {  	[sflag:s24] =	ssyncset.done $0x0  }
0x1c: {  	s26 =	simm.s32 $0x1B8E;
	s25 =	sld [smem:$0x3FFE];
	[sflag:s24] =	ssyncadd.s32 $0xFFFFFFFF  }
0x1d: {  	s27 =	simm.s32 $execute0_lowered;
	[smem:$0x3FD2] =	sst s26  }
0x1e: {  	s5 =	sshll.u32 s27, $0x1;
	_ =	strace $0x80000049;
	[dreg:$0x1] =	wrdreg $0xFFFFFFFF  }
0x1f: {  	s28 =	simm.s32 $_size_execute0_lowered;
	s3 =	sadd.s32 s3, s5;
	[dreg:$0x0] =	wrdreg $0x0  }
0x20: {  	s5 =	sshll.u32 s28, $0x1;
	[dreg:$0x2] =	wrdreg s3  }
0x21: {  	[dreg:$0x3] =	wrdreg s5  }
0x22: {  	[dreg:$0x4] =	wrdreg $0xC0  }
0x23: {  	_ =	task [dreg:s7], $0x5FFFF  }
0x24: {  	[dreg:$0x1] =	wrdreg $0xFFFFFFFF  }
0x25: {  	[dreg:$0x0] =	wrdreg $0x60  }
0x26: {  	[dreg:$0x2] =	wrdreg s25  }
0x27: {  	[dreg:$0x3] =	wrdreg s2  }
0x28: {  	[dreg:$0x4] =	wrdreg $0x9  }
0x29: {  	_ =	task.clear_ibuf [dreg:s7], $0x5FFFF;
	_ =	strace $0x90000049  }
0x2a: {  	s29 =	simm.s32 $0x9;
	_ =	strace $0x8000004B  }
0x2b: {  	_ =	swait.ge [sflag:s29], $0x1  }
0x2c: {  	[sflag:s29] =	ssyncadd.s32 $0xFFFFFFFF  }
0x2d: {  	_ =	strace $0x9000004B  }
0x2e: {  	_ =	sfence  }
0x2f: {  	s30 =	sld [smem:$0x0];
	_ =	sdelay $0x2  }
0x30: {  	s31 =	sshll.u32 s1, $0xD;
	s1 =	sshrl.u32 s1, $0x2  }
0x31: {  	s3 =	sand.u32 $0x4000, s31;
	s1 =	sadd.s32 s1, s30  }
0x32: {  	s0 =	sor.u32 s3, s0;
	s1 =	sshll.u32 s1, $0x11  }
0x33: {  	s0 =	sor.u32 s1, s0  }
0x34: {  	s0 =	sadd.s32 $0x8F2B, s0  }
0x35: {  	[sflag:s0] =	ssyncadd.remote.s32 $0x1  }
0x36: {  	_ =	sfence.sel $0xFFFF  }
0x37: {  	[dreg:$0x0] =	wrdreg $0xFFFFFFFF;
	(pc) =	sbr.abs _section_cstart, $3  }
0x38: {  	[dreg:$0x1] =	wrdreg $0xFFFFFFFF  }
0x39: {  	_ =	task.clear_ibuf [dreg:s7], $0x2FFFF;
	_ =	strace $0x9FFFFFFF  }
0x3a: {  	(tm) =	ssettm $0x7FFFFFFF  }
0x3b: {  	_ =	shalt  }
tec
execute0_lowered:
.L_overlay_start_1:
0x0: {  	(tag) =	ssettag $0x1  }
0x1: {  	s0 =	stileid.u32  }
0x2: {  	s2 =	srdreg.scid;
	s7 =	rddreg [dreg:$0x0]  }
0x3: {  	s6 =	simm.s32 $0x1;
	s31 =	simm.s32 $0x2;
	s16 =	simm.s32 $0x0  }
0x4: {  	s9 =	simm.s32 $0x2000;
	s15 =	simm.s32 $0x0;
	s10 =	simm.s32 $0x0  }
0x5: {  	s11 =	simm.s32 $0x0;
	s14 =	simm.s32 $0x0;
	s1 =	sshll.u32 s0, $0x7  }
0x6: {  	s3 =	sshll.u32 s0, $0x4;
	s2 =	sshll.u32 s2, $0x8;
	s1 =	sand.u32 $0x380, s1  }
0x7: {  	s7 =	sadd.s32 $0x1200, s7;
	s2 =	sor.u32 s3, s2;
	s5 =	ssub.s32 $0x400, s1  }
0x8: {  	s3 =	rddreg [dreg:$0x1];
	s4 =	sand.u32 $0x180, s2;
	s29 =	sand.u32 $0x380, s5  }
0x9: {  	s30 =	ssub.s32 $0x18680, s4;
	s5 =	sshrl.u32 s5, $0xA;
	p0 =	sne.s32 s29, $0x0  }
.Ltmp0:
0xa: {  	s8 =	sshrl.u32 s30, $0x9;
	s6 =	simm.s32 @!p0 $0x0;
	(pc) =	sbr.rel .LBB1_1-.Ltmp0, $4  }
0xb: {  	s2 =	rddreg [dreg:$0x2];
	s8 =	sadd.s32 $0x1, s8;
	s6 =	sadd.s32 s6, s5  }
0xc: {  	_ =	strace $0x8000004A;
	s5 =	simm.s32 $0x1;
	s6 =	smul.u32 s6, s8  }
0xd: {  	s13 =	smov.u32 s1;
	s12 =	smov.u32 s4;
	[sflag:s5] =	ssyncpa.u1 $0x0  }
0xe: {  	p0 =	por $0x0, $0x0;
	[sflag:s31] =	ssyncpa.u1 $0x0;
	s8 =	sadd.s32 $0x1, s6  }
.LBB1_4:
0xf: {  	s21 =	sshra.s32 s21, $0x2;
	s27 =	sshll.u32 s10, $0xA;
	s22 =	sshll.u32 s11, $0x3  }
0x10: {  	s23 =	sshll.u32 s10, $0x7;
	s24 =	sand.u32 $0x78, s11;
	p1 =	sgt.s32 s10, $0x18620  }
0x11: {  	s25 =	sshra.s32 s10, $0x1F;
	s26 =	sshra.s32 s11, $0x1F;
	s20 =	sadd.s32 s21, s20  }
0x12: {  	v5 =	vld [tilespmem:s18+$0xFFFFFFD0];
	[tilespmem:s19+$0x2040 ss:$0x81] =	vst.msk $0xffff, v4;
	s21 =	sand.u32 $0xFFFFE000, s27;
	s22 =	sand.u32 $0xFFFFFC00, s22;
	s28 =	sand.u32 $0x380, s23  }
0x13: {  	v58 =	vld [tilespmem:s18+$0xFFFFFFE0];
	[tilespmem:s19+$0x2850 ss:$0x81] =	vst.msk $0xffff, v3;
	s23 =	smov.u32 s10;
	s30 =	sand.u32 s25, s10;
	s25 =	smov.u32 s11  }
0x14: {  	v59 =	vld [tilespmem:s18+$0xFFFFFFF0];
	[tilespmem:s19+$0x3060 ss:$0x81] =	vst.msk $0xffff, v2;
	s31 =	sand.u32 s26, s11;
	s21 =	sadd.s32 s22, s21;
	s22 =	sor.u32 s24, s28  }
0x15: {  	v60 =	vld [tilespmem:s18+$0x0];
	[tilespmem:s19+$0x0 ss:$0x81] =	vst.msk $0xffff, v1;
	s23 =	simm.s32 @!p1 $0x18620;
	p1 =	sgt.s32 s11, $0x380;
	s21 =	sshrl.u32 s21, $0xA  }
0x16: {  	v61 =	vld [tilespmem:s18+$0x10];
	[tilespmem:s20+$0x3870 ss:$0x81] =	vst.msk $0xffff, v0;
	s19 =	ssub.s32 s23, s30;
	s25 =	simm.s32 @!p1 $0x380;
	s29 =	smulhi.u32 $0x53E2D7, s21  }
0x17: {  	v62 =	vld [tilespmem:s18+$0x20];
	s23 =	ssub.s32 s25, s31;
	s26 =	sadd.s32 $0xFFFE79E0, s19;
	s19 =	ssub.s32 $0x186A0, s19;
	[tilespmem:s20+$0x810 ss:$0x81] =	vst.msk $0xffff, v5  }
0x18: {  	v63 =	vld [tilespmem:s18+$0xFFFFFFC0];
	[tilespmem:s20+$0x1020 ss:$0x81] =	vst.msk $0xffff, v58;
	p1 =	sgt.s32 s26, $0x7F;
	s28 =	sadd.s32 $0xFFFFFC80, s23;
	s24 =	sshrl.u32 s29, $0x7  }
0x19: {  	[tilespmem:s20+$0x1830 ss:$0x81] =	vst.msk $0xffff, v59;
	s23 =	ssub.s32 $0x400, s23;
	p2 =	sgt.s32 s28, $0x7F;
	s27 =	smul.u32 $0x186A0, s24  }
0x1a: {  	s30 =	sand.u32 $0x7, s11;
	[tilespmem:s20+$0x2040 ss:$0x81] =	vst.msk $0xffff, v60;
	s19 =	simm.s32 @p1 $0x0;
	s23 =	simm.s32 @p2 $0x0  }
0x1b: {  	[tilespmem:s20+$0x2850 ss:$0x81] =	vst.msk $0xffff, v61;
	s29 =	sshrl.u32 s22, $0x3;
	s19 =	smul.u32 s23, s19;
	s18 =	ssub.s32 s21, s27  }
0x1c: {  	[tilespmem:s20+$0x3060 ss:$0x81] =	vst.msk $0xffff, v62;
	s22 =	sshll.u32 s30, $0x12;
	s21 =	sadd.s32 s3, s29;
	s18 =	sshll.u32 s18, $0x7  }
0x1d: {  	[tilespmem:s20+$0x0 ss:$0x81] =	vst.msk $0xffff, v63;
	s31 =	sor.u32 $0x400, s22;
	s19 =	sand.u32 $0x3FFFFFFF, s19;
	s18 =	sadd.s32 s18, s21  }
0x1e: {  	[hbm4b:s18+s31] =	stream.strided.scatter [tilespmem:s17], [sflag:$0x2], s19, s9, s31, $0x20;
	[tilespmem:$0x10100] =	vst v63  }
.LBB1_5:
0x1f: {  	p1 =	slt.u32 s14, $0x2  }
0x20: {  	s18 =	smov.u32 s16;
	p2 =	sgt.s32 @!p1 s16, $0x18620;
	s17 =	sshra.s32 @!p1 s16, $0x1F  }
0x21: {  	p3 =	sgt.s32 @!p1 s15, $0x380;
	s19 =	sshra.s32 @!p1 s15, $0x1F;
	p2 =	por !p2, p1  }
0x22: {  	s16 =	sand.u32 @!p1 s17, s16;
	p3 =	por !p3, p1;
	s17 =	smov.u32 s15  }
0x23: {  	s15 =	sand.u32 @!p1 s19, s15;
	s18 =	simm.s32 @p2 $0x18620;
	s17 =	simm.s32 @p3 $0x380  }
0x24: {  	s16 =	ssub.s32 @!p1 s18, s16;
	s15 =	ssub.s32 @!p1 s17, s15  }
0x25: {  	s19 =	smov.u32 s13;
	s17 =	sadd.s32 @!p1 $0xFFFE79E0, s16;
	s18 =	sadd.s32 @!p1 $0xFFFFFC80, s15  }
0x26: {  	s16 =	ssub.s32 @!p1 $0x186A0, s16;
	p2 =	sgt.s32 @!p1 s17, $0x7F;
	p3 =	sgt.s32 @!p1 s18, $0x7F  }
0x27: {  	s15 =	ssub.s32 @!p1 $0x400, s15;
	p2 =	por !p2, p1;
	p3 =	por !p3, p1  }
0x28: {  	s17 =	sadd.s32 $0x200, s12;
	s16 =	simm.s32 @!p2 $0x0;
	s15 =	simm.s32 @!p3 $0x0  }
0x29: {  	p2 =	sgt.s32 s17, $0x1869F;
	s15 =	smul.u32 @!p1 s15, s16;
	s16 =	sadd.s32 $0x400, s13  }
0x2a: {  	s19 =	smov.u32 @p2 s16  }
0x2b: {  	s17 =	smov.u32 @p2 s4;
	p2 =	sgt.s32 s19, $0x3FF  }
0x2c: {  	s19 =	smov.u32 @p2 s1;
	p2 =	sne.s32 s14, s8  }
.Ltmp1:
0x2d: {  	p0 =	por !p0, !p0;
	s18 =	simm.s32 @!p1 $0x2;
	(pc) =	sbr.rel @!p2 .LBB1_6-.Ltmp1, $4  }
0x2e: {  	s16 =	smov.u32 s10;
	s10 =	smov.u32 s12;
	s15 =	sand.u32 @!p1 $0x3FFFFFFF, s15  }
0x2f: {  	s12 =	smov.u32 s17;
	_ =	swait.ge @!p1 [sflag:s18], s15;
	s20 =	ssub.s32 @!p1 $0x0, s15  }
0x30: {  	s15 =	smov.u32 s11;
	s14 =	sadd.s32 $0x1, s14;
	[sflag:s18] =	ssyncset.done @!p1 $0x0  }
0x31: {  	s11 =	smov.u32 s13;
	s13 =	smov.u32 s19;
	[sflag:s18] =	ssyncadd.s32 @!p1 s20  }
.LBB1_1:
0x32: {  	p1 =	sge.u32 s14, s6  }
0x33: {  	s17 =	sshrl.u32 @!p1 s13, $0x3  }
0x34: {  	s18 =	sshll.u32 @!p1 s12, $0x3;
	s17 =	smul.u32 @!p1 $0xC3800, s17  }
0x35: {  	s19 =	sshll.u32 @!p1 s13, $0x7;
	s18 =	sand.u32 @!p1 $0xFFFFFC00, s18  }
0x36: {  	s17 =	sadd.s32 @!p1 s17, s18;
	s18 =	sand.u32 @!p1 $0x380, s19  }
0x37: {  	s19 =	sand.u32 @!p1 $0x7F, s12;
	s17 =	sor.u32 @!p1 s18, s17  }
0x38: {  	s18 =	sor.u32 @!p1 s19, s17  }
0x39: {  	s19 =	smulhi.u32 @!p1 $0xA79C7B17, s18;
	_ =	sdelay $0x1  }
0x3a: {  	s17 =	smulhi.u32 @!p1 $0xA79C7B17, s17;
	s19 =	sshrl.u32 @!p1 s19, $0x10  }
0x3b: {  	s19 =	smul.u32 @!p1 $0x18700, s19  }
0x3c: {  	s31 =	sadd.s32 $0xFFFFFFFF, s14;
	s20 =	sxor.u32 @!p1 $0xFFFFFFFF, s14;
	s17 =	sshrl.u32 @!p1 s17, $0x10  }
0x3d: {  	s20 =	sshll.u32 @!p1 s20, $0xE;
	s17 =	sand.u32 @!p1 $0x3FF, s17;
	s18 =	ssub.s32 @!p1 s18, s19  }
0x3e: {  	s17 =	smul.u32 @!p1 $0x30E0, s17;
	s19 =	sshrl.u32 @!p1 s18, $0x3;
	s18 =	sand.u32 @!p1 $0x7, s18  }
0x3f: {  	s20 =	sand.u32 @!p1 $0x4000, s20;
	s19 =	sadd.s32 @!p1 s7, s19;
	s18 =	sshll.u32 @!p1 s18, $0x12  }
0x40: {  	s17 =	sadd.s32 @!p1 s17, s19;
	s18 =	sor.u32 @!p1 $0x400, s18;
	s19 =	simm.s32 @!p1 $0xC3800  }
0x41: {  	[tilespmem:s20], [sflag:$0x1] =	stream.strided.gather @!p1 [hbm4b:s17+s18], $0x4000, s19, s18, $0x38;
	[tilespmem:$0x10100] =	vst v63  }
0x42: {  	p1 =	sge.u32 s31, s6  }
.Ltmp2:
0x43: {  	_ = 	snop;
	(pc) =	sbr.rel @p1 .LBB1_5-.Ltmp2, $1  }
0x44: {  	_ =	sdelay $0x3  }
0x45: {  	s17 =	simm.s32 $0x1  }
0x46: {  	_ =	swait.ge [sflag:s5], $0x4000;
	s17 =	simm.s32 @!p0 $0x0  }
0x47: {  	[sflag:s5] =	ssyncset.done $0x0;
	s18 =	sshll.u32 s17, $0xE  }
0x48: {  	[sflag:s5] =	ssyncadd.s32 $0xFFFFC000;
	s18 =	sor.u32 $0x40, s18  }
0x49: {  	s17 =	smul.u32 $0x10200, s17;
	v0 =	vld [tilespmem:s18+$0x30]  }
0x4a: {  	v1 =	vld [tilespmem:s18+$0xFFFFFFD0]  }
0x4b: {  	s17 =	sshrl.u32 s17, $0x2;
	v5 =	vld [tilespmem:s18+$0xFFFFFFE0]  }
0x4c: {  	v6 =	vld [tilespmem:s18+$0xFFFFFFF0];
	s20 =	sor.u32 $0x8000, s17  }
0x4d: {  	s31 =	sand.u32 $0x1, s14;
	v4 =	vld [tilespmem:s18+$0x0];
	s19 =	sadd.s32 $0x0, s20  }
0x4e: {  	v3 =	vld [tilespmem:s18+$0x10];
	s17 =	smul.u32 $0x10200, s31;
	[tilespmem:s19+$0x3870 ss:$0x81] =	vst.msk $0xffff, v0  }
0x4f: {  	v2 =	vld [tilespmem:s18+$0x20];
	[tilespmem:s19+$0x810 ss:$0x81] =	vst.msk $0xffff, v1  }
0x50: {  	s17 =	sshrl.u32 s17, $0x2;
	v1 =	vld [tilespmem:s18+$0xFFFFFFC0];
	[tilespmem:s19+$0x1020 ss:$0x81] =	vst.msk $0xffff, v5;
	s18 =	sadd.s32 $0x80, s18  }
0x51: {  	s21 =	simm.s32 $0x4;
	s22 =	simm.s32 $0x8;
	s17 =	sor.u32 $0x8000, s17;
	[tilespmem:s19+$0x1830 ss:$0x81] =	vst.msk $0xffff, v6;
	v0 =	vld [tilespmem:s18+$0x30]  }
.LBB1_3:
0x52: {  	p1 =	sne.s32 s22, $0x1FC;
	v5 =	vld [tilespmem:s18+$0xFFFFFFD0];
	[tilespmem:s19+$0x2040 ss:$0x81] =	vst.msk $0xffff, v4  }
0x53: {  	v6 =	vld [tilespmem:s18+$0xFFFFFFE0];
	[tilespmem:s19+$0x2850 ss:$0x81] =	vst.msk $0xffff, v3  }
0x54: {  	s23 =	sshra.s32 s21, $0x2;
	s21 =	smov.u32 s22;
	v7 =	vld [tilespmem:s18+$0xFFFFFFF0];
	[tilespmem:s19+$0x3060 ss:$0x81] =	vst.msk $0xffff, v2  }
.Ltmp3:
0x55: {  	v4 =	vld [tilespmem:s18+$0x0];
	[tilespmem:s19+$0x0 ss:$0x81] =	vst.msk $0xffff, v1;
	s19 =	sadd.s32 s23, s20;
	(pc) =	sbr.rel @p1 .LBB1_3-.Ltmp3, $4  }
0x56: {  	v3 =	vld [tilespmem:s18+$0x10];
	[tilespmem:s19+$0x3870 ss:$0x81] =	vst.msk $0xffff, v0  }
0x57: {  	[tilespmem:s19+$0x810 ss:$0x81] =	vst.msk $0xffff, v5;
	v2 =	vld [tilespmem:s18+$0x20]  }
0x58: {  	v1 =	vld [tilespmem:s18+$0xFFFFFFC0];
	[tilespmem:s19+$0x1020 ss:$0x81] =	vst.msk $0xffff, v6;
	s18 =	sadd.s32 $0x80, s18  }
0x59: {  	s22 =	sadd.s32 $0x4, s22;
	v0 =	vld [tilespmem:s18+$0x30];
	[tilespmem:s19+$0x1830 ss:$0x81] =	vst.msk $0xffff, v7  }
.Ltmp4:
0x5a: {  	_ = 	snop;
	(pc) =	sbr.rel .LBB1_4-.Ltmp4, $1  }
0x5b: {  	_ =	sdelay $0x3  }
.LBB1_6:
0x5c: {  	_ =	sfence.sel $0x180000  }
0x5d: {  	s1 =	simm.s32 $0x1;
	[bflag:$0x0] =	sbarrier.arrive $0xFFFF  }
0x5e: {  	s31 =	simm.s32 $0x2;
	[sflag:s1] =	ssyncpa.u1 $0x1  }
0x5f: {  	[sflag:s31] =	ssyncpa.u1 $0x1  }
0x60: {  	p0 =	sne.s32 s0, $0x0;
	_ =	strace $0x9000004A  }
0x61: {  	s0 =	sadd.s32 @!p0 $0x100000, s2;
	[bflag:$0x2] =	sbarrier.arrive $0xFFFF  }
0x62: {  	[sflag:s0] =	ssyncadd.tile.s32 @!p0 $0x1;
	_ =	shalt  }
.Lfunc_end1:
_tile_overlayer_lowered:
.L_overlay_start_2:
0x63: {  	(tag) =	ssettag $0x2  }
0x64: {  	s0 =	rddreg [dreg:$0x0];
	s2 =	stileid.u32  }
0x65: {  	s1 =	rddreg [dreg:$0x1];
	p0 =	sne.s32 s2, $0x0  }
0x66: {  	s3 =	rddreg [dreg:$0x2];
	[bflag:$0x3] =	sbarrier.arrive $0xFFFF;
	s2 =	simm.s32 @!p0 $0x1C01  }
0x67: {  	[timem:s3], [sflag:s2] =	dma.local @!p0 [hbm:s0], s1  }
0x68: {  	s0 =	simm.s32 @!p0 $0x1  }
0x69: {  	_ =	swait.ge @!p0 [sflag:s0], s1  }
0x6a: {  	s1 =	ssub.s32 @!p0 $0x0, s1;
	[sflag:s0] =	ssyncset.done @!p0 $0x0  }
0x6b: {  	[sflag:s0] =	ssyncadd.s32 @!p0 s1  }
0x6c: {  	[bflag:$0x3] =	sbarrier.arrive $0xFFFF  }
0x6d: {  	_ =	shalt  }

</sc_bundles>
